<compile_context>
chip_gen: v7x
topology: tpu7x:2x2x1
jax: 0.10.2.dev20260603
libtpu: 0.0.44.dev20260713+nightly
codegen_flags: <defaults>
</compile_context>

<pallas_src>
import functools

import jax
import jax.numpy as jnp
from jax import lax
from jax.experimental import pallas as pl
from jax.experimental.pallas import tpu as pltpu
from jax.experimental.pallas import tpu_sc as plsc

N_CORES = 2
N_SUBCORES = 16
N_WORKERS = N_CORES * N_SUBCORES
LANES = 16

CHUNK = 10000


SC_ROWS = 30000
TC_BLOCK = 5000


def _tc_mean3_body(x0_ref, x1_ref, x2_ref, o_ref):
    o_ref[...] = (x0_ref[...] + x1_ref[...] + x2_ref[...]) * (1.0 / 3.0)


def _sc_mean3(total):
    per_worker = total // N_WORKERS
    n_chunks = per_worker // CHUNK
    mesh = plsc.VectorSubcoreMesh(
        core_axis_name="c", subcore_axis_name="s")

    @functools.partial(
        pl.kernel,
        out_type=jax.ShapeDtypeStruct((total,), jnp.float32),
        mesh=mesh,
        scratch_types=[
            pltpu.VMEM((CHUNK,), jnp.float32),
            pltpu.VMEM((CHUNK,), jnp.float32),
            pltpu.VMEM((CHUNK,), jnp.float32),
            pltpu.VMEM((CHUNK,), jnp.float32),
            pltpu.VMEM((CHUNK,), jnp.float32),
            pltpu.VMEM((CHUNK,), jnp.float32),
            pltpu.VMEM((CHUNK,), jnp.float32),
            pltpu.VMEM((CHUNK,), jnp.float32),
            pltpu.SemaphoreType.DMA,
            pltpu.SemaphoreType.DMA,
            pltpu.SemaphoreType.DMA,
            pltpu.SemaphoreType.DMA,
        ],
    )
    def k(x0_hbm, x1_hbm, x2_hbm, out_hbm, a0, a1, b0, b1, c0, c1,
          o0, o1, isem0, isem1, osem0, osem1):
        wid = lax.axis_index("s") * N_CORES + lax.axis_index("c")
        base = wid * per_worker
        a_v, b_v, c_v, o_v = (a0, a1), (b0, b1), (c0, c1), (o0, o1)
        in_sem, out_sem = (isem0, isem1), (osem0, osem1)

        def start_in(i, b):
            off = base + i * CHUNK
            pltpu.async_copy(x0_hbm.at[pl.ds(off, CHUNK)], a_v[b],
                             in_sem[b])
            pltpu.async_copy(x1_hbm.at[pl.ds(off, CHUNK)], b_v[b],
                             in_sem[b])
            pltpu.async_copy(x2_hbm.at[pl.ds(off, CHUNK)], c_v[b],
                             in_sem[b])

        def wait_in(i, b):
            off = base + i * CHUNK
            pltpu.make_async_copy(x0_hbm.at[pl.ds(off, CHUNK)], a_v[b],
                                  in_sem[b]).wait()
            pltpu.make_async_copy(x1_hbm.at[pl.ds(off, CHUNK)], b_v[b],
                                  in_sem[b]).wait()
            pltpu.make_async_copy(x2_hbm.at[pl.ds(off, CHUNK)], c_v[b],
                                  in_sem[b]).wait()

        def start_out(i, b):
            off = base + i * CHUNK
            pltpu.async_copy(o_v[b], out_hbm.at[pl.ds(off, CHUNK)],
                             out_sem[b])

        def wait_out(i, b):
            off = base + i * CHUNK
            pltpu.make_async_copy(o_v[b], out_hbm.at[pl.ds(off, CHUNK)],
                                  out_sem[b]).wait()

        def compute(b):
            av, bv, cv, ov = a_v[b], b_v[b], c_v[b], o_v[b]

            @plsc.parallel_loop(0, CHUNK // LANES, unroll=16)
            def _(j):
                s = pl.ds(j * LANES, LANES)
                ov[s] = (av[s] + bv[s] + cv[s]) * (1.0 / 3.0)

        start_in(0, 0)

        def pair_body(p, _):
            for b in (0, 1):
                i = p * 2 + b

                @pl.when(i + 1 < n_chunks)
                def _():
                    start_in(i + 1, 1 - b)

                wait_in(i, b)

                @pl.when(i >= 2)
                def _():
                    wait_out(i - 2, b)

                compute(b)
                start_out(i, b)
            return 0

        lax.fori_loop(0, n_chunks // 2, pair_body, 0)
        wait_out(n_chunks - 2, 0)
        wait_out(n_chunks - 1, 1)

    return k


def kernel(edge_index, xs_0, xs_1, xs_2):
    n, d = xs_0.shape
    rs = SC_ROWS

    sc_k = _sc_mean3(rs * d)
    sc_out = sc_k(xs_0.reshape(-1), xs_1.reshape(-1), xs_2.reshape(-1))

    off = rs // TC_BLOCK
    in_spec = pl.BlockSpec((TC_BLOCK, d), lambda i: (i + off, 0))
    tc_out = pl.pallas_call(
        _tc_mean3_body,
        grid=((n - rs) // TC_BLOCK,),
        in_specs=[in_spec, in_spec, in_spec],
        out_specs=pl.BlockSpec((TC_BLOCK, d), lambda i: (i, 0)),
        out_shape=jax.ShapeDtypeStruct((n - rs, d), jnp.float32),
    )(xs_0, xs_1, xs_2)

    return jnp.concatenate([sc_out.reshape(rs, d), tc_out], axis=0)

# --- scband reference (transcript-rebuilt; emitter-appended) ---
"""Pipeline reference for scband-merge-xs-33346126086885 (READ-ONLY COPY).

The authoritative reference and input builder live on the scoring server;
editing this copy changes nothing except your own understanding.
"""

import jax, jax.numpy as jnp
import numpy as np

N_NODES = 100000
DIM = 128
N_EDGES = 1600000

def setup_inputs(seed: int = 0) -> dict:
    key = jax.random.key(seed)
    k0, k1, k2, k3 = jax.random.split(key, 4)
    edge_index = jax.random.randint(k0, (2, N_EDGES), 0, N_NODES, dtype=jnp.int64 if jax.config.jax_enable_x64 else jnp.int32)
    xs_0 = jax.random.normal(k1, (N_NODES, DIM), dtype=jnp.float32)
    xs_1 = jax.random.normal(k2, (N_NODES, DIM), dtype=jnp.float32)
    xs_2 = jax.random.normal(k3, (N_NODES, DIM), dtype=jnp.float32)
    return {"edge_index": edge_index, "xs_0": xs_0, "xs_1": xs_1, "xs_2": xs_2}

def reference(edge_index, xs_0, xs_1, xs_2):
    # Merge_xs with mode='MEAN':
    #   embedding = torch.mean(torch.stack(generated_embeddings), dim=0)
    # data.edge_index is unused in MEAN mode; scores stays empty.
    embedding = jnp.mean(jnp.stack([xs_0, xs_1, xs_2], axis=0), axis=0)
    return embedding

if __name__ == "__main__":
    import jax
    _d = setup_inputs()
    print(jax.jit(kernel)(*tuple(_d.values())))

</pallas_src>

<mosaic_0001>
#map = affine_map<(d0, d1) -> (0)>
module attributes {stable_mosaic.version = 14 : i64} {
  func.func @k(%arg0: i32, %arg1: i32, %arg2: memref<12800000xf32, #tpu.memory_space<hbm>>, %arg3: memref<12800000xf32, #tpu.memory_space<hbm>>, %arg4: memref<12800000xf32, #tpu.memory_space<hbm>>, %arg5: memref<3840000xf32, #tpu.memory_space<hbm>>, %arg6: memref<10000xf32, #tpu.memory_space<vmem>>, %arg7: memref<10000xf32, #tpu.memory_space<vmem>>, %arg8: memref<10000xf32, #tpu.memory_space<vmem>>, %arg9: memref<10000xf32, #tpu.memory_space<vmem>>, %arg10: memref<10000xf32, #tpu.memory_space<vmem>>, %arg11: memref<10000xf32, #tpu.memory_space<vmem>>, %arg12: memref<10000xf32, #tpu.memory_space<vmem>>, %arg13: memref<10000xf32, #tpu.memory_space<vmem>>, %arg14: memref<!tpu.dma_semaphore, #tpu.memory_space<semaphore_mem>>, %arg15: memref<!tpu.dma_semaphore, #tpu.memory_space<semaphore_mem>>, %arg16: memref<!tpu.dma_semaphore, #tpu.memory_space<semaphore_mem>>, %arg17: memref<!tpu.dma_semaphore, #tpu.memory_space<semaphore_mem>>) attributes {dimension_semantics = [#tpu.dimension_semantics<core_parallel>, #tpu.dimension_semantics<subcore_parallel>], iteration_bounds = array<i64: 2, 16>, scalar_prefetch = 0 : i64, scratch_operands = 12 : i64, tpu.core_type = #tpu.core_type<sc_vector_subcore>, window_params = [{transform_indices = #map}, {transform_indices = #map}, {transform_indices = #map}, {transform_indices = #map}]} {
    %mul3A = arith.constant 2 : i32
    %mul3A_0 = arith.muli %arg1, %mul3A : i32
    %add3A = arith.addi %mul3A_0, %arg0 : i32
    %mul3A_1 = arith.constant 120000 : i32
    %mul3A_2 = arith.muli %add3A, %mul3A_1 : i32
    %add3A_3 = arith.constant 0 : i32
    %add3A_4 = arith.addi %mul3A_2, %add3A_3 : i32
    %dma_start3A = tpu.memref_slice %arg2[%add3A_4] : memref<12800000xf32, #tpu.memory_space<hbm>> -> memref<10000xf32, #tpu.memory_space<hbm>>
    %dma_start3A_5 = tpu.memref_slice %arg2[%add3A_4] : memref<12800000xf32, #tpu.memory_space<hbm>> -> memref<10000xf32, #tpu.memory_space<hbm>>
    tpu.enqueue_dma source(%dma_start3A_5 : memref<10000xf32, #tpu.memory_space<hbm>>) target(%arg6 : memref<10000xf32, #tpu.memory_space<vmem>>) target_semaphore(%arg14 : memref<!tpu.dma_semaphore, #tpu.memory_space<semaphore_mem>>)
    %dma_start3A_6 = tpu.memref_slice %arg3[%add3A_4] : memref<12800000xf32, #tpu.memory_space<hbm>> -> memref<10000xf32, #tpu.memory_space<hbm>>
    %dma_start3A_7 = tpu.memref_slice %arg3[%add3A_4] : memref<12800000xf32, #tpu.memory_space<hbm>> -> memref<10000xf32, #tpu.memory_space<hbm>>
    tpu.enqueue_dma source(%dma_start3A_7 : memref<10000xf32, #tpu.memory_space<hbm>>) target(%arg8 : memref<10000xf32, #tpu.memory_space<vmem>>) target_semaphore(%arg14 : memref<!tpu.dma_semaphore, #tpu.memory_space<semaphore_mem>>)
    %dma_start3A_8 = tpu.memref_slice %arg4[%add3A_4] : memref<12800000xf32, #tpu.memory_space<hbm>> -> memref<10000xf32, #tpu.memory_space<hbm>>
    %dma_start3A_9 = tpu.memref_slice %arg4[%add3A_4] : memref<12800000xf32, #tpu.memory_space<hbm>> -> memref<10000xf32, #tpu.memory_space<hbm>>
    tpu.enqueue_dma source(%dma_start3A_9 : memref<10000xf32, #tpu.memory_space<hbm>>) target(%arg10 : memref<10000xf32, #tpu.memory_space<vmem>>) target_semaphore(%arg14 : memref<!tpu.dma_semaphore, #tpu.memory_space<semaphore_mem>>)
    %scan3A = arith.constant 0 : i32
    %scan3A_10 = arith.constant 0 : i32
    %scan3A_11 = arith.constant 6 : i32
    %scan3A_12 = arith.addi %scan3A_10, %scan3A_11 : i32
    %scan3A_13 = arith.constant 1 : i32
    %scan3A_14 = scf.for %scan3A_23 = %scan3A_10 to %scan3A_12 step %scan3A_13 iter_args(%scan3A_24 = %scan3A) -> (i32)  : i32 {
      %mul3A_25 = arith.constant 2 : i32
      %mul3A_26 = arith.muli %scan3A_23, %mul3A_25 : i32
      %add3A_27 = arith.constant 0 : i32
      %add3A_28 = arith.addi %mul3A_26, %add3A_27 : i32
      %add3A_29 = arith.constant 1 : i32
      %add3A_30 = arith.addi %add3A_28, %add3A_29 : i32
      %lt3A = arith.constant 12 : i32
      %lt3A_31 = arith.cmpi slt, %add3A_30, %lt3A : i32
      %convert_element_type3A = arith.extui %lt3A_31 : i1 to i32
      %cond3A = arith.constant 0 : i32
      %cond3A_32 = arith.cmpi ne, %convert_element_type3A, %cond3A : i32
      scf.if %cond3A_32 {
        %add3A_87 = arith.constant 1 : i32
        %add3A_88 = arith.addi %add3A_28, %add3A_87 : i32
        %mul3A_89 = arith.constant 10000 : i32
        %mul3A_90 = arith.muli %add3A_88, %mul3A_89 : i32
        %add3A_91 = arith.addi %mul3A_2, %mul3A_90 : i32
        %dma_start3A_92 = tpu.memref_slice %arg2[%add3A_91] : memref<12800000xf32, #tpu.memory_space<hbm>> -> memref<10000xf32, #tpu.memory_space<hbm>>
        %dma_start3A_93 = tpu.memref_slice %arg2[%add3A_91] : memref<12800000xf32, #tpu.memory_space<hbm>> -> memref<10000xf32, #tpu.memory_space<hbm>>
        tpu.enqueue_dma source(%dma_start3A_93 : memref<10000xf32, #tpu.memory_space<hbm>>) target(%arg7 : memref<10000xf32, #tpu.memory_space<vmem>>) target_semaphore(%arg15 : memref<!tpu.dma_semaphore, #tpu.memory_space<semaphore_mem>>)
        %dma_start3A_94 = tpu.memref_slice %arg3[%add3A_91] : memref<12800000xf32, #tpu.memory_space<hbm>> -> memref<10000xf32, #tpu.memory_space<hbm>>
        %dma_start3A_95 = tpu.memref_slice %arg3[%add3A_91] : memref<12800000xf32, #tpu.memory_space<hbm>> -> memref<10000xf32, #tpu.memory_space<hbm>>
        tpu.enqueue_dma source(%dma_start3A_95 : memref<10000xf32, #tpu.memory_space<hbm>>) target(%arg9 : memref<10000xf32, #tpu.memory_space<vmem>>) target_semaphore(%arg15 : memref<!tpu.dma_semaphore, #tpu.memory_space<semaphore_mem>>)
        %dma_start3A_96 = tpu.memref_slice %arg4[%add3A_91] : memref<12800000xf32, #tpu.memory_space<hbm>> -> memref<10000xf32, #tpu.memory_space<hbm>>
        %dma_start3A_97 = tpu.memref_slice %arg4[%add3A_91] : memref<12800000xf32, #tpu.memory_space<hbm>> -> memref<10000xf32, #tpu.memory_space<hbm>>
        tpu.enqueue_dma source(%dma_start3A_97 : memref<10000xf32, #tpu.memory_space<hbm>>) target(%arg11 : memref<10000xf32, #tpu.memory_space<vmem>>) target_semaphore(%arg15 : memref<!tpu.dma_semaphore, #tpu.memory_space<semaphore_mem>>)
      } else {
      }
      %mul3A_33 = arith.constant 10000 : i32
      %mul3A_34 = arith.muli %add3A_28, %mul3A_33 : i32
      %add3A_35 = arith.addi %mul3A_2, %mul3A_34 : i32
      %dma_wait3A_36 = tpu.memref_slice %arg2[%add3A_35] : memref<12800000xf32, #tpu.memory_space<hbm>> -> memref<10000xf32, #tpu.memory_space<hbm>>
      %dma_wait3A_37 = tpu.memref_slice %arg2[%add3A_35] : memref<12800000xf32, #tpu.memory_space<hbm>> -> memref<10000xf32, #tpu.memory_space<hbm>>
      tpu.wait_dma2 semaphore(%arg14 : memref<!tpu.dma_semaphore, #tpu.memory_space<semaphore_mem>>) src(%dma_wait3A_37 : memref<10000xf32, #tpu.memory_space<hbm>>) dst(%arg6 : memref<10000xf32, #tpu.memory_space<vmem>>)
      %dma_wait3A_38 = tpu.memref_slice %arg3[%add3A_35] : memref<12800000xf32, #tpu.memory_space<hbm>> -> memref<10000xf32, #tpu.memory_space<hbm>>
      %dma_wait3A_39 = tpu.memref_slice %arg3[%add3A_35] : memref<12800000xf32, #tpu.memory_space<hbm>> -> memref<10000xf32, #tpu.memory_space<hbm>>
      tpu.wait_dma2 semaphore(%arg14 : memref<!tpu.dma_semaphore, #tpu.memory_space<semaphore_mem>>) src(%dma_wait3A_39 : memref<10000xf32, #tpu.memory_space<hbm>>) dst(%arg8 : memref<10000xf32, #tpu.memory_space<vmem>>)
      %dma_wait3A_40 = tpu.memref_slice %arg4[%add3A_35] : memref<12800000xf32, #tpu.memory_space<hbm>> -> memref<10000xf32, #tpu.memory_space<hbm>>
      %dma_wait3A_41 = tpu.memref_slice %arg4[%add3A_35] : memref<12800000xf32, #tpu.memory_space<hbm>> -> memref<10000xf32, #tpu.memory_space<hbm>>
      tpu.wait_dma2 semaphore(%arg14 : memref<!tpu.dma_semaphore, #tpu.memory_space<semaphore_mem>>) src(%dma_wait3A_41 : memref<10000xf32, #tpu.memory_space<hbm>>) dst(%arg10 : memref<10000xf32, #tpu.memory_space<vmem>>)
      %ge3A = arith.constant 2 : i32
      %ge3A_42 = arith.cmpi sge, %add3A_28, %ge3A : i32
      %convert_element_type3A_43 = arith.extui %ge3A_42 : i1 to i32
      %cond3A_44 = arith.constant 0 : i32
      %cond3A_45 = arith.cmpi ne, %convert_element_type3A_43, %cond3A_44 : i32
      scf.if %cond3A_45 {
        %sub3A = arith.constant 2 : i32
        %sub3A_87 = arith.subi %add3A_28, %sub3A : i32
        %mul3A_88 = arith.constant 10000 : i32
        %mul3A_89 = arith.muli %sub3A_87, %mul3A_88 : i32
        %add3A_90 = arith.addi %mul3A_2, %mul3A_89 : i32
        %dma_wait3A_91 = tpu.memref_slice %arg5[%add3A_90] : memref<3840000xf32, #tpu.memory_space<hbm>> -> memref<10000xf32, #tpu.memory_space<hbm>>
        %dma_wait3A_92 = tpu.memref_slice %arg5[%add3A_90] : memref<3840000xf32, #tpu.memory_space<hbm>> -> memref<10000xf32, #tpu.memory_space<hbm>>
        tpu.wait_dma2 semaphore(%arg16 : memref<!tpu.dma_semaphore, #tpu.memory_space<semaphore_mem>>) src(%arg12 : memref<10000xf32, #tpu.memory_space<vmem>>) dst(%dma_wait3A_92 : memref<10000xf32, #tpu.memory_space<hbm>>)
      } else {
      }
      %parallel_loop3A = arith.constant 0 : i32
      %parallel_loop3A_46 = arith.constant 625 : i32
      %parallel_loop3A_47 = arith.constant 1 : i32
      scf.for %parallel_loop3A_87 = %parallel_loop3A to %parallel_loop3A_46 step %parallel_loop3A_47  : i32 {
        %parallel_loop3A_88 = arith.constant 16 : i32
        %parallel_loop3A_89 = arith.muli %parallel_loop3A_87, %parallel_loop3A_88 : i32
        %parallel_loop3A_90 = arith.index_cast %parallel_loop3A_89 : i32 to index
        %parallel_loop3A_91 = tpu.vector_load %arg6[%parallel_loop3A_90] {strides = array<i32>} : memref<10000xf32, #tpu.memory_space<vmem>>, vector<16xf32>,
        %parallel_loop3A_92 = vector.shape_cast %parallel_loop3A_91 : vector<16xf32> to vector<16xf32>
        %parallel_loop3A_93 = arith.index_cast %parallel_loop3A_89 : i32 to index
        %parallel_loop3A_94 = tpu.vector_load %arg8[%parallel_loop3A_93] {strides = array<i32>} : memref<10000xf32, #tpu.memory_space<vmem>>, vector<16xf32>,
        %parallel_loop3A_95 = vector.shape_cast %parallel_loop3A_94 : vector<16xf32> to vector<16xf32>
        %parallel_loop3A_96 = arith.addf %parallel_loop3A_92, %parallel_loop3A_95 : vector<16xf32>
        %parallel_loop3A_97 = arith.index_cast %parallel_loop3A_89 : i32 to index
        %parallel_loop3A_98 = tpu.vector_load %arg10[%parallel_loop3A_97] {strides = array<i32>} : memref<10000xf32, #tpu.memory_space<vmem>>, vector<16xf32>,
        %parallel_loop3A_99 = vector.shape_cast %parallel_loop3A_98 : vector<16xf32> to vector<16xf32>
        %parallel_loop3A_100 = arith.addf %parallel_loop3A_96, %parallel_loop3A_99 : vector<16xf32>
        %parallel_loop3A_101 = arith.constant 0.333333343 : f32
        %parallel_loop3A_102 = vector.broadcast %parallel_loop3A_101 : f32 to vector<16xf32>
        %parallel_loop3A_103 = arith.mulf %parallel_loop3A_100, %parallel_loop3A_102 : vector<16xf32>
        %parallel_loop3A_104 = arith.index_cast %parallel_loop3A_89 : i32 to index
        %parallel_loop3A_105 = tpu.vector_load %arg12[%parallel_loop3A_104] {strides = array<i32>} : memref<10000xf32, #tpu.memory_space<vmem>>, vector<16xf32>,
        %parallel_loop3A_106 = vector.shape_cast %parallel_loop3A_105 : vector<16xf32> to vector<16xf32>
        %parallel_loop3A_107 = vector.shape_cast %parallel_loop3A_103 : vector<16xf32> to vector<16xf32>
        tpu.vector_store %arg12[%parallel_loop3A_104], %parallel_loop3A_107 {strides = array<i32>} : memref<10000xf32, #tpu.memory_space<vmem>>, vector<16xf32>,
      } {sc.loop_unroll_factor = 16 : i64, sc.parallel_access}
      %mul3A_48 = arith.constant 10000 : i32
      %mul3A_49 = arith.muli %add3A_28, %mul3A_48 : i32
      %add3A_50 = arith.addi %mul3A_2, %mul3A_49 : i32
      %dma_start3A_51 = tpu.memref_slice %arg5[%add3A_50] : memref<3840000xf32, #tpu.memory_space<hbm>> -> memref<10000xf32, #tpu.memory_space<hbm>>
      %dma_start3A_52 = tpu.memref_slice %arg5[%add3A_50] : memref<3840000xf32, #tpu.memory_space<hbm>> -> memref<10000xf32, #tpu.memory_space<hbm>>
      tpu.enqueue_dma source(%arg12 : memref<10000xf32, #tpu.memory_space<vmem>>) target(%dma_start3A_52 : memref<10000xf32, #tpu.memory_space<hbm>>) target_semaphore(%arg16 : memref<!tpu.dma_semaphore, #tpu.memory_space<semaphore_mem>>)
      %mul3A_53 = arith.constant 2 : i32
      %mul3A_54 = arith.muli %scan3A_23, %mul3A_53 : i32
      %add3A_55 = arith.constant 1 : i32
      %add3A_56 = arith.addi %mul3A_54, %add3A_55 : i32
      %add3A_57 = arith.constant 1 : i32
      %add3A_58 = arith.addi %add3A_56, %add3A_57 : i32
      %lt3A_59 = arith.constant 12 : i32
      %lt3A_60 = arith.cmpi slt, %add3A_58, %lt3A_59 : i32
      %convert_element_type3A_61 = arith.extui %lt3A_60 : i1 to i32
      %cond3A_62 = arith.constant 0 : i32
      %cond3A_63 = arith.cmpi ne, %convert_element_type3A_61, %cond3A_62 : i32
      scf.if %cond3A_63 {
        %add3A_87 = arith.constant 1 : i32
        %add3A_88 = arith.addi %add3A_56, %add3A_87 : i32
        %mul3A_89 = arith.constant 10000 : i32
        %mul3A_90 = arith.muli %add3A_88, %mul3A_89 : i32
        %add3A_91 = arith.addi %mul3A_2, %mul3A_90 : i32
        %dma_start3A_92 = tpu.memref_slice %arg2[%add3A_91] : memref<12800000xf32, #tpu.memory_space<hbm>> -> memref<10000xf32, #tpu.memory_space<hbm>>
        %dma_start3A_93 = tpu.memref_slice %arg2[%add3A_91] : memref<12800000xf32, #tpu.memory_space<hbm>> -> memref<10000xf32, #tpu.memory_space<hbm>>
        tpu.enqueue_dma source(%dma_start3A_93 : memref<10000xf32, #tpu.memory_space<hbm>>) target(%arg6 : memref<10000xf32, #tpu.memory_space<vmem>>) target_semaphore(%arg14 : memref<!tpu.dma_semaphore, #tpu.memory_space<semaphore_mem>>)
        %dma_start3A_94 = tpu.memref_slice %arg3[%add3A_91] : memref<12800000xf32, #tpu.memory_space<hbm>> -> memref<10000xf32, #tpu.memory_space<hbm>>
        %dma_start3A_95 = tpu.memref_slice %arg3[%add3A_91] : memref<12800000xf32, #tpu.memory_space<hbm>> -> memref<10000xf32, #tpu.memory_space<hbm>>
        tpu.enqueue_dma source(%dma_start3A_95 : memref<10000xf32, #tpu.memory_space<hbm>>) target(%arg8 : memref<10000xf32, #tpu.memory_space<vmem>>) target_semaphore(%arg14 : memref<!tpu.dma_semaphore, #tpu.memory_space<semaphore_mem>>)
        %dma_start3A_96 = tpu.memref_slice %arg4[%add3A_91] : memref<12800000xf32, #tpu.memory_space<hbm>> -> memref<10000xf32, #tpu.memory_space<hbm>>
        %dma_start3A_97 = tpu.memref_slice %arg4[%add3A_91] : memref<12800000xf32, #tpu.memory_space<hbm>> -> memref<10000xf32, #tpu.memory_space<hbm>>
        tpu.enqueue_dma source(%dma_start3A_97 : memref<10000xf32, #tpu.memory_space<hbm>>) target(%arg10 : memref<10000xf32, #tpu.memory_space<vmem>>) target_semaphore(%arg14 : memref<!tpu.dma_semaphore, #tpu.memory_space<semaphore_mem>>)
      } else {
      }
      %mul3A_64 = arith.constant 10000 : i32
      %mul3A_65 = arith.muli %add3A_56, %mul3A_64 : i32
      %add3A_66 = arith.addi %mul3A_2, %mul3A_65 : i32
      %dma_wait3A_67 = tpu.memref_slice %arg2[%add3A_66] : memref<12800000xf32, #tpu.memory_space<hbm>> -> memref<10000xf32, #tpu.memory_space<hbm>>
      %dma_wait3A_68 = tpu.memref_slice %arg2[%add3A_66] : memref<12800000xf32, #tpu.memory_space<hbm>> -> memref<10000xf32, #tpu.memory_space<hbm>>
      tpu.wait_dma2 semaphore(%arg15 : memref<!tpu.dma_semaphore, #tpu.memory_space<semaphore_mem>>) src(%dma_wait3A_68 : memref<10000xf32, #tpu.memory_space<hbm>>) dst(%arg7 : memref<10000xf32, #tpu.memory_space<vmem>>)
      %dma_wait3A_69 = tpu.memref_slice %arg3[%add3A_66] : memref<12800000xf32, #tpu.memory_space<hbm>> -> memref<10000xf32, #tpu.memory_space<hbm>>
      %dma_wait3A_70 = tpu.memref_slice %arg3[%add3A_66] : memref<12800000xf32, #tpu.memory_space<hbm>> -> memref<10000xf32, #tpu.memory_space<hbm>>
      tpu.wait_dma2 semaphore(%arg15 : memref<!tpu.dma_semaphore, #tpu.memory_space<semaphore_mem>>) src(%dma_wait3A_70 : memref<10000xf32, #tpu.memory_space<hbm>>) dst(%arg9 : memref<10000xf32, #tpu.memory_space<vmem>>)
      %dma_wait3A_71 = tpu.memref_slice %arg4[%add3A_66] : memref<12800000xf32, #tpu.memory_space<hbm>> -> memref<10000xf32, #tpu.memory_space<hbm>>
      %dma_wait3A_72 = tpu.memref_slice %arg4[%add3A_66] : memref<12800000xf32, #tpu.memory_space<hbm>> -> memref<10000xf32, #tpu.memory_space<hbm>>
      tpu.wait_dma2 semaphore(%arg15 : memref<!tpu.dma_semaphore, #tpu.memory_space<semaphore_mem>>) src(%dma_wait3A_72 : memref<10000xf32, #tpu.memory_space<hbm>>) dst(%arg11 : memref<10000xf32, #tpu.memory_space<vmem>>)
      %ge3A_73 = arith.constant 2 : i32
      %ge3A_74 = arith.cmpi sge, %add3A_56, %ge3A_73 : i32
      %convert_element_type3A_75 = arith.extui %ge3A_74 : i1 to i32
      %cond3A_76 = arith.constant 0 : i32
      %cond3A_77 = arith.cmpi ne, %convert_element_type3A_75, %cond3A_76 : i32
      scf.if %cond3A_77 {
        %sub3A = arith.constant 2 : i32
        %sub3A_87 = arith.subi %add3A_56, %sub3A : i32
        %mul3A_88 = arith.constant 10000 : i32
        %mul3A_89 = arith.muli %sub3A_87, %mul3A_88 : i32
        %add3A_90 = arith.addi %mul3A_2, %mul3A_89 : i32
        %dma_wait3A_91 = tpu.memref_slice %arg5[%add3A_90] : memref<3840000xf32, #tpu.memory_space<hbm>> -> memref<10000xf32, #tpu.memory_space<hbm>>
        %dma_wait3A_92 = tpu.memref_slice %arg5[%add3A_90] : memref<3840000xf32, #tpu.memory_space<hbm>> -> memref<10000xf32, #tpu.memory_space<hbm>>
        tpu.wait_dma2 semaphore(%arg17 : memref<!tpu.dma_semaphore, #tpu.memory_space<semaphore_mem>>) src(%arg13 : memref<10000xf32, #tpu.memory_space<vmem>>) dst(%dma_wait3A_92 : memref<10000xf32, #tpu.memory_space<hbm>>)
      } else {
      }
      %parallel_loop3A_78 = arith.constant 0 : i32
      %parallel_loop3A_79 = arith.constant 625 : i32
      %parallel_loop3A_80 = arith.constant 1 : i32
      scf.for %parallel_loop3A_87 = %parallel_loop3A_78 to %parallel_loop3A_79 step %parallel_loop3A_80  : i32 {
        %parallel_loop3A_88 = arith.constant 16 : i32
        %parallel_loop3A_89 = arith.muli %parallel_loop3A_87, %parallel_loop3A_88 : i32
        %parallel_loop3A_90 = arith.index_cast %parallel_loop3A_89 : i32 to index
        %parallel_loop3A_91 = tpu.vector_load %arg7[%parallel_loop3A_90] {strides = array<i32>} : memref<10000xf32, #tpu.memory_space<vmem>>, vector<16xf32>,
        %parallel_loop3A_92 = vector.shape_cast %parallel_loop3A_91 : vector<16xf32> to vector<16xf32>
        %parallel_loop3A_93 = arith.index_cast %parallel_loop3A_89 : i32 to index
        %parallel_loop3A_94 = tpu.vector_load %arg9[%parallel_loop3A_93] {strides = array<i32>} : memref<10000xf32, #tpu.memory_space<vmem>>, vector<16xf32>,
        %parallel_loop3A_95 = vector.shape_cast %parallel_loop3A_94 : vector<16xf32> to vector<16xf32>
        %parallel_loop3A_96 = arith.addf %parallel_loop3A_92, %parallel_loop3A_95 : vector<16xf32>
        %parallel_loop3A_97 = arith.index_cast %parallel_loop3A_89 : i32 to index
        %parallel_loop3A_98 = tpu.vector_load %arg11[%parallel_loop3A_97] {strides = array<i32>} : memref<10000xf32, #tpu.memory_space<vmem>>, vector<16xf32>,
        %parallel_loop3A_99 = vector.shape_cast %parallel_loop3A_98 : vector<16xf32> to vector<16xf32>
        %parallel_loop3A_100 = arith.addf %parallel_loop3A_96, %parallel_loop3A_99 : vector<16xf32>
        %parallel_loop3A_101 = arith.constant 0.333333343 : f32
        %parallel_loop3A_102 = vector.broadcast %parallel_loop3A_101 : f32 to vector<16xf32>
        %parallel_loop3A_103 = arith.mulf %parallel_loop3A_100, %parallel_loop3A_102 : vector<16xf32>
        %parallel_loop3A_104 = arith.index_cast %parallel_loop3A_89 : i32 to index
        %parallel_loop3A_105 = tpu.vector_load %arg13[%parallel_loop3A_104] {strides = array<i32>} : memref<10000xf32, #tpu.memory_space<vmem>>, vector<16xf32>,
        %parallel_loop3A_106 = vector.shape_cast %parallel_loop3A_105 : vector<16xf32> to vector<16xf32>
        %parallel_loop3A_107 = vector.shape_cast %parallel_loop3A_103 : vector<16xf32> to vector<16xf32>
        tpu.vector_store %arg13[%parallel_loop3A_104], %parallel_loop3A_107 {strides = array<i32>} : memref<10000xf32, #tpu.memory_space<vmem>>, vector<16xf32>,
      } {sc.loop_unroll_factor = 16 : i64, sc.parallel_access}
      %mul3A_81 = arith.constant 10000 : i32
      %mul3A_82 = arith.muli %add3A_56, %mul3A_81 : i32
      %add3A_83 = arith.addi %mul3A_2, %mul3A_82 : i32
      %dma_start3A_84 = tpu.memref_slice %arg5[%add3A_83] : memref<3840000xf32, #tpu.memory_space<hbm>> -> memref<10000xf32, #tpu.memory_space<hbm>>
      %dma_start3A_85 = tpu.memref_slice %arg5[%add3A_83] : memref<3840000xf32, #tpu.memory_space<hbm>> -> memref<10000xf32, #tpu.memory_space<hbm>>
      tpu.enqueue_dma source(%arg13 : memref<10000xf32, #tpu.memory_space<vmem>>) target(%dma_start3A_85 : memref<10000xf32, #tpu.memory_space<hbm>>) target_semaphore(%arg17 : memref<!tpu.dma_semaphore, #tpu.memory_space<semaphore_mem>>)
      %scan3A_86 = arith.constant 0 : i32
      scf.yield %scan3A_86 : i32
    }
    %scan3A_15 = arith.constant 6 : i32
    %add3A_16 = arith.constant 100000 : i32
    %add3A_17 = arith.addi %mul3A_2, %add3A_16 : i32
    %dma_wait3A = tpu.memref_slice %arg5[%add3A_17] : memref<3840000xf32, #tpu.memory_space<hbm>> -> memref<10000xf32, #tpu.memory_space<hbm>>
    %dma_wait3A_18 = tpu.memref_slice %arg5[%add3A_17] : memref<3840000xf32, #tpu.memory_space<hbm>> -> memref<10000xf32, #tpu.memory_space<hbm>>
    tpu.wait_dma2 semaphore(%arg16 : memref<!tpu.dma_semaphore, #tpu.memory_space<semaphore_mem>>) src(%arg12 : memref<10000xf32, #tpu.memory_space<vmem>>) dst(%dma_wait3A_18 : memref<10000xf32, #tpu.memory_space<hbm>>)
    %add3A_19 = arith.constant 110000 : i32
    %add3A_20 = arith.addi %mul3A_2, %add3A_19 : i32
    %dma_wait3A_21 = tpu.memref_slice %arg5[%add3A_20] : memref<3840000xf32, #tpu.memory_space<hbm>> -> memref<10000xf32, #tpu.memory_space<hbm>>
    %dma_wait3A_22 = tpu.memref_slice %arg5[%add3A_20] : memref<3840000xf32, #tpu.memory_space<hbm>> -> memref<10000xf32, #tpu.memory_space<hbm>>
    tpu.wait_dma2 semaphore(%arg17 : memref<!tpu.dma_semaphore, #tpu.memory_space<semaphore_mem>>) src(%arg13 : memref<10000xf32, #tpu.memory_space<vmem>>) dst(%dma_wait3A_22 : memref<10000xf32, #tpu.memory_space<hbm>>)
    return
  }
}

module attributes {stable_mosaic.version = 14 : i64} {
  func.func @_tc_mean3_body(%arg0: i32, %arg1: memref<5000x128xf32, #tpu.memory_space<vmem>>, %arg2: memref<5000x128xf32, #tpu.memory_space<vmem>>, %arg3: memref<5000x128xf32, #tpu.memory_space<vmem>>, %arg4: memref<5000x128xf32, #tpu.memory_space<vmem>>) attributes {dimension_semantics = [#tpu.dimension_semantics<arbitrary>], iteration_bounds = array<i64: 14>, scalar_prefetch = 0 : i64, scratch_operands = 0 : i64, tpu.core_type = #tpu.core_type<tc>, window_params = [{transform_indices = @transform_0, window_bounds = array<i64: 5000, 128>}, {transform_indices = @transform_1, window_bounds = array<i64: 5000, 128>}, {transform_indices = @transform_2, window_bounds = array<i64: 5000, 128>}, {transform_indices = @transform_3, window_bounds = array<i64: 5000, 128>}]} {
    %get3A = arith.constant 0 : index
    %get3A_0 = arith.constant 0 : index
    %get3A_1 = vector.load %arg1[%get3A, %get3A_0] : memref<5000x128xf32, #tpu.memory_space<vmem>>, vector<5000x128xf32>
    %get3A_2 = arith.constant 0 : index
    %get3A_3 = arith.constant 0 : index
    %get3A_4 = vector.load %arg2[%get3A_2, %get3A_3] : memref<5000x128xf32, #tpu.memory_space<vmem>>, vector<5000x128xf32>
    %add3A = arith.addf %get3A_1, %get3A_4 : vector<5000x128xf32>
    %get3A_5 = arith.constant 0 : index
    %get3A_6 = arith.constant 0 : index
    %get3A_7 = vector.load %arg3[%get3A_5, %get3A_6] : memref<5000x128xf32, #tpu.memory_space<vmem>>, vector<5000x128xf32>
    %add3A_8 = arith.addf %add3A, %get3A_7 : vector<5000x128xf32>
    %mul3A = arith.constant 0.333333343 : f32
    %mul3A_9 = vector.broadcast %mul3A : f32 to vector<5000x128xf32>
    %mul3A_10 = arith.mulf %add3A_8, %mul3A_9 : vector<5000x128xf32>
    %swap3A = arith.constant 0 : index
    %swap3A_11 = arith.constant 0 : index
    %swap3A_12 = vector.load %arg4[%swap3A, %swap3A_11] : memref<5000x128xf32, #tpu.memory_space<vmem>>, vector<5000x128xf32>
    tpu.vector_store %arg4[%swap3A, %swap3A_11], %mul3A_10 {strides = array<i32>} : memref<5000x128xf32, #tpu.memory_space<vmem>>, vector<5000x128xf32>,
    return
  }
  func.func @transform_0(%arg0: i32) -> (i32, i32) {
    %add3A = arith.constant 6 : i32
    %add3A_0 = arith.addi %arg0, %add3A : i32
    %c0_i32 = arith.constant 0 : i32
    %c0_i32_1 = arith.constant 0 : i32
    return %add3A_0, %c0_i32 : i32, i32
  }
  func.func @transform_1(%arg0: i32) -> (i32, i32) {
    %add3A = arith.constant 6 : i32
    %add3A_0 = arith.addi %arg0, %add3A : i32
    %c0_i32 = arith.constant 0 : i32
    %c0_i32_1 = arith.constant 0 : i32
    return %add3A_0, %c0_i32 : i32, i32
  }
  func.func @transform_2(%arg0: i32) -> (i32, i32) {
    %add3A = arith.constant 6 : i32
    %add3A_0 = arith.addi %arg0, %add3A : i32
    %c0_i32 = arith.constant 0 : i32
    %c0_i32_1 = arith.constant 0 : i32
    return %add3A_0, %c0_i32 : i32, i32
  }
  func.func @transform_3(%arg0: i32) -> (i32, i32) {
    %c0_i32 = arith.constant 0 : i32
    %c0_i32_0 = arith.constant 0 : i32
    return %arg0, %c0_i32 : i32, i32
  }
}

</mosaic_0001>

<sc_bundles>
// kernel: kernel.4.cloned.1.call-start
scs
__scs_entry_jumppad:
0x0: {  	(pc) =	sbr.rel $0x88, $3  }
0x1: {  	(tag) =	ssettag $0x0;
	lr =	simm.s32 $0x1  }
0x2: {  	[smem:$0x3F9E] =	sst lr;
	_ =	strace $0xD0000000  }
0x3: {  	_ = 	snop  }
0x4: {  	_ = 	snop  }
0x5: {  	_ = 	snop  }
0x6: {  	_ = 	snop  }
0x7: {  	_ = 	snop  }
__scs_overlays_trampoline_lowered:
0x8: {  	[smem:$0x3FAD] =	sst s0  }
0x9: {  	[smem:$0x3FAE] =	sst s1  }
0xa: {  	[smem:$0x3FAF] =	sst s2  }
0xb: {  	[smem:$0x3FB0] =	sst s3  }
0xc: {  	[smem:$0x3FB1] =	sst s4  }
0xd: {  	[smem:$0x3FB2] =	sst s5  }
0xe: {  	[smem:$0x3FB3] =	sst s6  }
0xf: {  	[smem:$0x3FB4] =	sst s7  }
0x10: {  	[smem:$0x3FB5] =	sst s8  }
0x11: {  	[smem:$0x3FB6] =	sst s9;
	s0 =	simm.s32 @!p0 $0x0  }
0x12: {  	s1 =	sld [smem:$0x3F9C];
	s0 =	simm.s32 @p0 $0x1  }
0x13: {  	[smem:$0x3FB7] =	sst s0;
	s0 =	simm.s32 @!p1 $0x0  }
0x14: {  	s2 =	sld [smem:$0x3F9B];
	s0 =	simm.s32 @p1 $0x1  }
0x15: {  	[smem:$0x3FB8] =	sst s0;
	s0 =	simm.s32 @!p2 $0x0  }
0x16: {  	s3 =	sld [smem:$0x3FDB];
	s0 =	simm.s32 @p2 $0x1  }
0x17: {  	s4 =	simm.s32 $0x1BF5;
	[smem:$0x3FBA] =	sst s0  }
0x18: {  	s0 =	sld [smem:$0x3F9D];
	_ =	swait.ge [sflag:s4], $0x0  }
0x19: {  	s7 =	sld [smem:$0x3F9E]  }
0x1a: {  	s8 =	sadd.s32 $0xFFFFE003, lr  }
0x1b: {  	s9 =	sadd.s32 $0xFFFFFEF7, lr;
	s5 =	simm.s32 $0xFFFFFFFF;
	p2 =	slt.u32 s8, $0xFFFFF086  }
0x1c: {  	p1 =	slt.u32 s9, $0xF7A;
	s5 =	simm.s32 @!p2 $0x0  }
0x1d: {  	s5 =	simm.s32 @p1 $0x1;
	p0 =	seq.s32 s7, s2  }
0x1e: {  	s7 =	smul.u32 @!p0 $0xF7A, s2;
	p2 =	seq.s32 @!p0 s5, $0x0  }
0x1f: {  	s9 =	smul.u32 $0xF7A, s1;
	s8 =	simm.s32 @!p0 $0x1BF5;
	p2 =	por !p2, p0  }
0x20: {  	[sflag:s8] =	ssyncset.s32 @!p0 $0xFFFFF086;
	s6 =	sadd.s32 @!p0 s3, s7;
	s7 =	simm.s32 @!p0 $0x108  }
0x21: {  	s3 =	sadd.s32 s3, s9;
	s6 =	sadd.s32 @!p0 $0x88, s6;
	s7 =	simm.s32 @p2 $0x1082  }
0x22: {  	[simem:s7], [sflag:s8] =	dma.local @!p0 [hbm:s6], $0xF7A  }
0x23: {  	s9 =	sor.u32 $0xD0000000, s2;
	s6 =	simm.s32 $0x108;
	_ =	swait.ge @!p0 [sflag:s8], $0x0  }
0x24: {  	s3 =	sadd.s32 $0x88, s3;
	s6 =	simm.s32 @!p1 $0x1082;
	[sflag:s4] =	ssyncset.s32 $0xFFFFF086  }
0x25: {  	[simem:s6], [sflag:s4] =	dma.local [hbm:s3], $0xF7A  }
0x26: {  	[smem:$0x3F9E] =	sst s1;
	(tag) =	ssettag s2;
	_ =	strace s9  }
0x27: {  	s1 =	sld [smem:$0x3FAE]  }
0x28: {  	s2 =	sld [smem:$0x3FAF]  }
0x29: {  	s4 =	sld [smem:$0x3FB1]  }
0x2a: {  	p0 =	seq.s32 s5, $0x0;
	s5 =	sld [smem:$0x3FB2]  }
0x2b: {  	s6 =	sld [smem:$0x3FB3]  }
0x2c: {  	s7 =	sld [smem:$0x3FB4]  }
0x2d: {  	s3 =	simm.s32 $0x108;
	s8 =	sld [smem:$0x3FB5]  }
0x2e: {  	s3 =	simm.s32 @!p0 $0x1082;
	s9 =	sld [smem:$0x3FB6]  }
0x2f: {  	lr =	sadd.s32 s0, s3;
	s0 =	sld [smem:$0x3FAD]  }
0x30: {  	s3 =	sld [smem:$0x3FB0]  }
0x31: {  	[smem:$0x3FB9] =	sst s10  }
0x32: {  	s10 =	sld [smem:$0x3FB7];
	_ =	sdelay $0x3  }
0x33: {  	p0 =	seq.s32 s10, $0x1;
	s10 =	sld [smem:$0x3FB9];
	_ =	sdelay $0x3  }
0x34: {  	[smem:$0x3FB9] =	sst s10  }
0x35: {  	s10 =	sld [smem:$0x3FB8];
	_ =	sdelay $0x3  }
0x36: {  	p1 =	seq.s32 s10, $0x1;
	s10 =	sld [smem:$0x3FB9];
	_ =	sdelay $0x3  }
0x37: {  	[smem:$0x3FB9] =	sst s10  }
0x38: {  	s10 =	sld [smem:$0x3FBA]  }
0x39: {  	_ = 	snop;
	(pc) =	sbr.ind lr, $3  }
0x3a: {  	_ = 	snop  }
0x3b: {  	_ = 	snop  }
0x3c: {  	p2 =	seq.s32 s10, $0x1;
	s10 =	sld [smem:$0x3FB9]  }
0x3d: {  	_ =	shalt  }
0x3e: {  	_ =	shalt  }
0x3f: {  	_ =	shalt  }
0x40: {  	_ =	shalt  }
0x41: {  	_ =	shalt  }
0x42: {  	_ =	shalt  }
0x43: {  	_ =	shalt  }
0x44: {  	_ =	shalt  }
0x45: {  	_ =	shalt  }
0x46: {  	_ =	shalt  }
0x47: {  	_ =	shalt  }
0x48: {  	_ =	shalt  }
0x49: {  	_ =	shalt  }
0x4a: {  	_ =	shalt  }
0x4b: {  	_ =	shalt  }
0x4c: {  	_ =	shalt  }
0x4d: {  	_ =	shalt  }
0x4e: {  	_ =	shalt  }
0x4f: {  	_ =	shalt  }
0x50: {  	_ =	shalt  }
0x51: {  	_ =	shalt  }
0x52: {  	_ =	shalt  }
0x53: {  	_ =	shalt  }
0x54: {  	_ =	shalt  }
0x55: {  	_ =	shalt  }
0x56: {  	_ =	shalt  }
0x57: {  	_ =	shalt  }
0x58: {  	_ =	shalt  }
0x59: {  	_ =	shalt  }
0x5a: {  	_ =	shalt  }
0x5b: {  	_ =	shalt  }
0x5c: {  	_ =	shalt  }
0x5d: {  	_ =	shalt  }
0x5e: {  	_ =	shalt  }
0x5f: {  	_ =	shalt  }
0x60: {  	_ =	shalt  }
0x61: {  	_ =	shalt  }
0x62: {  	_ =	shalt  }
0x63: {  	_ =	shalt  }
0x64: {  	_ =	shalt  }
0x65: {  	_ =	shalt  }
0x66: {  	_ =	shalt  }
0x67: {  	_ =	shalt  }
0x68: {  	_ =	shalt  }
0x69: {  	_ =	shalt  }
0x6a: {  	_ =	shalt  }
0x6b: {  	_ =	shalt  }
0x6c: {  	_ =	shalt  }
0x6d: {  	_ =	shalt  }
0x6e: {  	_ =	shalt  }
0x6f: {  	_ =	shalt  }
0x70: {  	_ =	shalt  }
0x71: {  	_ =	shalt  }
0x72: {  	_ =	shalt  }
0x73: {  	_ =	shalt  }
0x74: {  	_ =	shalt  }
0x75: {  	_ =	shalt  }
0x76: {  	_ =	shalt  }
0x77: {  	_ =	shalt  }
0x78: {  	_ =	shalt  }
0x79: {  	_ =	shalt  }
0x7a: {  	_ =	shalt  }
0x7b: {  	_ =	shalt  }
0x7c: {  	_ =	shalt  }
0x7d: {  	_ =	shalt  }
0x7e: {  	_ =	shalt  }
0x7f: {  	_ =	shalt  }
0x80: {  	_ =	shalt  }
0x81: {  	_ =	shalt  }
0x82: {  	_ =	shalt  }
0x83: {  	_ =	shalt  }
0x84: {  	_ =	shalt  }
0x85: {  	_ =	shalt  }
0x86: {  	_ =	shalt  }
0x87: {  	_ =	shalt  }
.Lfunc_end0:
.L_simem_size_0:
called_computation_lowered:
.L_overlay_start_0:
0x88: {  	s2 =	sld [smem:$0x3FD9]  }
0x89: {  	s3 =	sld [smem:$0x3FFE];
	_ =	sdelay $0x1  }
0x8a: {  	s1 =	srdreg.scid  }
0x8b: {  	s0 =	sand.u32 $0x1, s1  }
0x8c: {  	s17 =	sshll.u32 s0, $0xA;
	s2 =	sadd.s32 s3, s2  }
0x8d: {  	s2 =	sadd.s32 s2, s17  }
0x8e: {  	[smem:$0x3FC5] =	sst s2  }
0x8f: {  	_ = 	snop  }
0x90: {  	s2 =	sld [smem:$0x3FC9]  }
0x91: {  	s18 =	sld [smem:$0x3FC8]  }
0x92: {  	s4 =	sld [smem:$0x3FC7];
	(tm) =	ssettm $0x1  }
0x93: {  	s5 =	sld [smem:$0x3FFB];
	_ =	sdelay $0x3  }
0x94: {  	_ =	strace s5  }
0x95: {  	s5 =	sld [smem:$0x3FFC];
	_ =	sdelay $0x3  }
0x96: {  	_ =	strace s5  }
0x97: {  	s5 =	sld [smem:$0x3FFD];
	_ =	sdelay $0x3  }
0x98: {  	_ =	strace s5  }
0x99: {  	_ =	strace $0x8FFFFFFF  }
0x9a: {  	s19 =	sld [smem:$0x3FDB];
	_ =	sdelay $0x1  }
0x9b: {  	s6 =	simm.s32 $_scs_section_size  }
0x9c: {  	s7 =	simm.s32 $_size__tile_overlayer_lowered;
	s8 =	simm.s32 $_tile_overlayer_lowered  }
0x9d: {  	s22 =	simm.s32 $0x1BFF;
	s21 =	sshll.u32 s8, $0x1;
	s5 =	sadd.s32 s6, s19  }
0x9e: {  	s9 =	simm.s32 $0x0;
	s20 =	sshll.u32 s7, $0x1;
	s7 =	sadd.s32 s21, s5  }
0x9f: {  	[timem:s9], [sflag:s22] =	dma.local [hbm:s7], s20  }
0xa0: {  	_ =	swait.ge [sflag:s22], s20  }
0xa1: {  	s6 =	ssub.s32 $0x0, s20;
	[sflag:s22] =	ssyncset.done $0x0  }
0xa2: {  	[sflag:s22] =	ssyncadd.s32 s6;
	_ =	sdelay $0x1  }
0xa3: {  	s23 =	simm.s32 $0x1B8B  }
0xa4: {  	_ =	swait.ge [sflag:s23], $0x1  }
0xa5: {  	[sflag:s23] =	ssyncset.done $0x0  }
0xa6: {  	s25 =	simm.s32 $0x1B8E;
	s24 =	sld [smem:$0x3FFE];
	[sflag:s23] =	ssyncadd.s32 $0xFFFFFFFF  }
0xa7: {  	s26 =	simm.s32 $execute0_lowered;
	[smem:$0x3FD2] =	sst s25  }
0xa8: {  	s7 =	sshll.u32 s26, $0x1;
	_ =	strace $0x80000046;
	[dreg:$0x1] =	wrdreg $0xFFFFFFFF  }
0xa9: {  	s28 =	simm.s32 $_size_execute0_lowered;
	s5 =	sadd.s32 s5, s7;
	[dreg:$0x0] =	wrdreg $0x0  }
0xaa: {  	s7 =	sshll.u32 s28, $0x1;
	[dreg:$0x2] =	wrdreg s5  }
0xab: {  	[dreg:$0x3] =	wrdreg s7  }
0xac: {  	[dreg:$0x4] =	wrdreg $0xC0  }
0xad: {  	_ =	task [dreg:s9], $0x5FFFF  }
0xae: {  	[dreg:$0x1] =	wrdreg $0xFFFFFFFF  }
0xaf: {  	[dreg:$0x0] =	wrdreg $0x60  }
0xb0: {  	[dreg:$0x2] =	wrdreg s2  }
0xb1: {  	[dreg:$0x3] =	wrdreg s18  }
0xb2: {  	[dreg:$0x4] =	wrdreg s4  }
0xb3: {  	[dreg:$0x5] =	wrdreg s24  }
0xb4: {  	[dreg:$0x6] =	wrdreg $0x9  }
0xb5: {  	_ =	task.clear_ibuf [dreg:s9], $0x7FFFF;
	_ =	strace $0x90000046  }
0xb6: {  	s29 =	simm.s32 $0x9;
	_ =	strace $0x80000048  }
0xb7: {  	_ =	swait.ge [sflag:s29], $0x1  }
0xb8: {  	[sflag:s29] =	ssyncadd.s32 $0xFFFFFFFF  }
0xb9: {  	_ =	strace $0x90000048  }
0xba: {  	_ =	sfence  }
0xbb: {  	s30 =	sld [smem:$0x0];
	_ =	sdelay $0x2  }
0xbc: {  	s31 =	sshll.u32 s1, $0xD;
	s1 =	sshrl.u32 s1, $0x2  }
0xbd: {  	s3 =	sand.u32 $0x4000, s31;
	s1 =	sadd.s32 s1, s30  }
0xbe: {  	s0 =	sor.u32 s3, s0;
	s1 =	sshll.u32 s1, $0x11  }
0xbf: {  	s0 =	sor.u32 s1, s0  }
0xc0: {  	s0 =	sadd.s32 $0x8F2B, s0  }
0xc1: {  	[sflag:s0] =	ssyncadd.remote.s32 $0x1  }
0xc2: {  	_ =	sfence.sel $0xFFFF  }
0xc3: {  	[dreg:$0x0] =	wrdreg $0xFFFFFFFF;
	(pc) =	sbr.abs _section_cstart, $3  }
0xc4: {  	[dreg:$0x1] =	wrdreg $0xFFFFFFFF  }
0xc5: {  	_ =	task.clear_ibuf [dreg:s9], $0x2FFFF;
	_ =	strace $0x9FFFFFFF  }
0xc6: {  	(tm) =	ssettm $0x7FFFFFFF  }
0xc7: {  	_ =	shalt  }
tec
execute0_lowered:
.L_overlay_start_1:
0x0: {  	(tag) =	ssettag $0x1  }
0x1: {  	s1 =	rddreg [dreg:$0x0]  }
0x2: {  	s2 =	rddreg [dreg:$0x1]  }
0x3: {  	s4 =	rddreg [dreg:$0x2];
	s0 =	srdreg.scid  }
0x4: {  	s5 =	stileid.u32;
	s3 =	rddreg [dreg:$0x3];
	s16 =	simm.s32 $0x2780  }
0x5: {  	s17 =	simm.s32 $0x7680;
	s18 =	simm.s32 $0xC580;
	s19 =	simm.s32 $0x1  }
0x6: {  	s20 =	simm.s32 $0xED00;
	s21 =	simm.s32 $0x2;
	s22 =	simm.s32 $0x11480  }
0x7: {  	s23 =	simm.s32 $0x3;
	s0 =	sand.u32 $0x1, s0;
	s6 =	sshll.u32 s5, $0x1  }
0x8: {  	s24 =	simm.s32 $0x4;
	s25 =	simm.s32 $0x0;
	s6 =	sor.u32 s0, s6  }
0x9: {  	s5 =	simm.s32 $0x0;
	s0 =	ssub.s32 $0x2, s0;
	s6 =	smul.u32 $0x1D4C0, s6  }
0xa: {  	s7 =	sadd.s32 $0x400, s3;
	[smem:$0x7FF] =	sst s5;
	s8 =	sshrl.u32 s0, $0x1  }
0xb: {  	_ =	strace $0x80000047;
	s0 =	ssub.s32 s0, s8;
	s31 =	sshrl.u32 s6, $0x3  }
0xc: {  	s11 =	sadd.s32 $0x2710, s6;
	s12 =	sadd.s32 $0x4E20, s6;
	s13 =	smax.u32 s0, $0x1  }
0xd: {  	s8 =	sadd.s32 s1, s31;
	s9 =	sadd.s32 s2, s31;
	s10 =	sadd.s32 s4, s31  }
.LBB2_1:
0xe: {  	[tilespmem:s5], [sflag:$0x1] =	stream.linear.gather [hbm4b:s8+s5], $0x2710, $0x38;
	[tilespmem:$0x13C00] =	vst v63  }
0xf: {  	s0 =	simm.s32 $0x4F00  }
0x10: {  	[tilespmem:s0], [sflag:$0x1] =	stream.linear.gather [hbm4b:s9+s5], $0x2710, $0x38;
	[tilespmem:$0x13C00] =	vst v63  }
0x11: {  	s31 =	simm.s32 $0x9E00;
	s26 =	simm.s32 $0x0  }
0x12: {  	[tilespmem:s31], [sflag:$0x1] =	stream.linear.gather [hbm4b:s10+s5], $0x2710, $0x38;
	[tilespmem:$0x13C00] =	vst v63  }
.LBB2_2:
0x13: {  	s29 =	smul.u32 $0x4E20, s26;
	_ =	sdelay $0x1  }
0x14: {  	s0 =	sadd.s32 s29, s11  }
0x15: {  	s28 =	sshrl.u32 s0, $0x3  }
0x16: {  	s0 =	sadd.s32 s1, s28  }
0x17: {  	[tilespmem:s16], [sflag:$0x2] =	stream.linear.gather [hbm4b:s0+s5], $0x2710, $0x38;
	[tilespmem:$0x13C00] =	vst v63  }
0x18: {  	s3 =	sadd.s32 s2, s28  }
0x19: {  	[tilespmem:s17], [sflag:$0x2] =	stream.linear.gather [hbm4b:s3+s5], $0x2710, $0x38;
	[tilespmem:$0x13C00] =	vst v63  }
0x1a: {  	s14 =	sadd.s32 s4, s28  }
0x1b: {  	[tilespmem:s18], [sflag:$0x2] =	stream.linear.gather [hbm4b:s14+s5], $0x2710, $0x38;
	[tilespmem:$0x13C00] =	vst v63  }
0x1c: {  	_ =	swait.ge [sflag:s19], $0x2710  }
0x1d: {  	[sflag:s19] =	ssyncset.done $0x0  }
0x1e: {  	[sflag:s19] =	ssyncadd.s32 $0xFFFFD8F0  }
0x1f: {  	_ =	swait.ge [sflag:s19], $0x2710  }
0x20: {  	[sflag:s19] =	ssyncset.done $0x0  }
0x21: {  	[sflag:s19] =	ssyncadd.s32 $0xFFFFD8F0  }
0x22: {  	_ =	swait.ge [sflag:s19], $0x2710  }
0x23: {  	p0 =	seq.s32 s26, $0x0;
	[sflag:s19] =	ssyncset.done $0x0  }
0x24: {  	s0 =	simm.s32 @!p0 $0x3;
	[sflag:s19] =	ssyncadd.s32 $0xFFFFD8F0  }
0x25: {  	_ =	swait.ge @!p0 [sflag:s0], $0x2710  }
0x26: {  	[sflag:s0] =	ssyncset.done @!p0 $0x0  }
0x27: {  	s15 =	simm.s32 $0x80;
	[sflag:s0] =	ssyncadd.s32 @!p0 $0xFFFFD8F0  }
0x28: {  	s30 =	simm.s32 $0x4F80;
	v0 =	vld [tilespmem:s15+$0x70]  }
0x29: {  	v1 =	vld [tilespmem:s30+$0x70]  }
0x2a: {  	s31 =	simm.s32 $0x9E80;
	v2 =	vld [tilespmem:s30+$0xFFFFFF80]  }
0x2b: {  	v3 =	vld [tilespmem:s31+$0x70]  }
0x2c: {  	v4 =	vld [tilespmem:s15+$0xFFFFFF90]  }
0x2d: {  	v5 =	vld [tilespmem:s30+$0xFFFFFF90]  }
0x2e: {  	v6 =	vld [tilespmem:s15+$0xFFFFFFA0]  }
0x2f: {  	v7 =	vld [tilespmem:s30+$0xFFFFFFA0]  }
0x30: {  	v8 =	vld [tilespmem:s15+$0xFFFFFFB0]  }
0x31: {  	v9 =	vld [tilespmem:s30+$0xFFFFFFB0]  }
0x32: {  	v10 =	vld [tilespmem:s15+$0xFFFFFFC0]  }
0x33: {  	v11 =	vld [tilespmem:s30+$0xFFFFFFC0]  }
0x34: {  	v12 =	vld [tilespmem:s15+$0xFFFFFFD0]  }
0x35: {  	v13 =	vld [tilespmem:s30+$0xFFFFFFD0]  }
0x36: {  	v14 =	vld [tilespmem:s15+$0xFFFFFFE0]  }
0x37: {  	v15 =	vld [tilespmem:s30+$0xFFFFFFE0]  }
0x38: {  	v16 =	vld [tilespmem:s15+$0xFFFFFFF0]  }
0x39: {  	v17 =	vld [tilespmem:s30+$0xFFFFFFF0]  }
0x3a: {  	v18 =	vld [tilespmem:s15+$0x0]  }
0x3b: {  	v19 =	vld [tilespmem:s30+$0x0]  }
0x3c: {  	v20 =	vld [tilespmem:s15+$0x10]  }
0x3d: {  	v21 =	vld [tilespmem:s30+$0x10]  }
0x3e: {  	v22 =	vld [tilespmem:s15+$0x20]  }
0x3f: {  	v23 =	vld [tilespmem:s30+$0x20]  }
0x40: {  	v24 =	vld [tilespmem:s15+$0x30]  }
0x41: {  	v25 =	vld [tilespmem:s30+$0x30]  }
0x42: {  	v26 =	vld [tilespmem:s15+$0x40]  }
0x43: {  	v27 =	vld [tilespmem:s30+$0x40]  }
0x44: {  	v28 =	vld [tilespmem:s15+$0x50]  }
0x45: {  	v29 =	vld [tilespmem:s30+$0x50]  }
0x46: {  	v30 =	vld [tilespmem:s15+$0x60]  }
0x47: {  	v32 =	vld [tilespmem:s31+$0xFFFFFF80]  }
0x48: {  	v0 =	vadd.f32 v1, v0;
	v1 =	vld [tilespmem:s15+$0xFFFFFF80]  }
0x49: {  	v4 =	vadd.f32 v5, v4;
	v5 =	vadd.f32 v7, v6;
	v6 =	vld [tilespmem:s31+$0xFFFFFFA0]  }
0x4a: {  	v7 =	vadd.f32 v9, v8;
	v9 =	vld [tilespmem:s31+$0xFFFFFFB0]  }
0x4b: {  	v0 =	vadd.f32 v3, v0;
	v3 =	vld [tilespmem:s31+$0xFFFFFF90]  }
0x4c: {  	v8 =	vadd.f32 v11, v10;
	v11 =	vld [tilespmem:s31+$0xFFFFFFC0]  }
0x4d: {  	v60 =	vld [tilespmem:s31+$0xFFFFFFE0];
	v10 =	vadd.f32 v13, v12;
	v12 =	vadd.f32 v15, v14  }
0x4e: {  	v13 =	vadd.f32 v17, v16;
	v14 =	vld [tilespmem:s31+$0xFFFFFFD0];
	v1 =	vadd.f32 v2, v1  }
0x4f: {  	v31 =	vld [tilespmem:s30+$0x60];
	v15 =	vadd.f32 v19, v18;
	v5 =	vadd.f32 v6, v5  }
0x50: {  	v2 =	vmul.f32 $3.333333430e-01, v0;
	v1 =	vadd.f32 v32, v1;
	v3 =	vadd.f32 v3, v4;
	v4 =	vld [tilespmem:s31+$0xFFFFFFF0]  }
0x51: {  	s3 =	simm.s32 $0xED80;
	v62 =	vld [tilespmem:s31+$0x0];
	v7 =	vadd.f32 v9, v7;
	v8 =	vadd.f32 v11, v8;
	v11 =	vmul.f32 $3.333333430e-01, v5  }
0x52: {  	v61 =	vadd.f32 v21, v20;
	v16 =	vadd.f32 v60, v12;
	v9 =	vld [tilespmem:s31+$0x10];
	[tilespmem:s3+$0x70] =	vst v2;
	v6 =	vmul.f32 $3.333333430e-01, v1  }
0x53: {  	v0 =	vadd.f32 v23, v22;
	v10 =	vadd.f32 v14, v10;
	v5 =	vld [tilespmem:s31+$0x20];
	v14 =	vmul.f32 $3.333333430e-01, v7;
	[tilespmem:s3+$0xFFFFFFA0] =	vst v11  }
0x54: {  	v2 =	vadd.f32 v27, v26;
	v63 =	vmul.f32 $3.333333430e-01, v8;
	v3 =	vmul.f32 $3.333333430e-01, v3;
	[tilespmem:s3+$0xFFFFFF80] =	vst v6;
	v6 =	vld [tilespmem:s31+$0x30]  }
0x55: {  	v7 =	vld [tilespmem:s31+$0x40];
	v12 =	vmul.f32 $3.333333430e-01, v10;
	v1 =	vadd.f32 v25, v24;
	[tilespmem:s3+$0xFFFFFFB0] =	vst v14;
	v11 =	vadd.f32 v4, v13  }
0x56: {  	v10 =	vmul.f32 $3.333333430e-01, v16;
	v8 =	vld [tilespmem:s31+$0x50];
	v14 =	vadd.f32 v62, v15;
	[tilespmem:s3+$0xFFFFFF90] =	vst v3;
	v3 =	vadd.f32 v29, v28  }
0x57: {  	s14 =	simm.s32 $0x0;
	s0 =	sadd.s32 s6, s29;
	s15 =	simm.s32 $0x180;
	[tilespmem:s3+$0xFFFFFFC0] =	vst v63;
	v4 =	vadd.f32 v31, v30;
	v13 =	vadd.f32 v9, v61;
	v9 =	vld [tilespmem:s31+$0x60];
	v11 =	vmul.f32 $3.333333430e-01, v11  }
.LBB2_3:
0x58: {  	v15 =	vld [tilespmem:s15+$0x70];
	[tilespmem:s3+$0xFFFFFFD0] =	vst v12;
	v12 =	vmul.f32 $3.333333430e-01, v14;
	v0 =	vadd.f32 v5, v0;
	s30 =	sadd.s32 $0x100, s30  }
0x59: {  	s14 =	sadd.s32 $0x10, s14;
	v5 =	vld [tilespmem:s30+$0x70];
	[tilespmem:s3+$0xFFFFFFE0] =	vst v10;
	v10 =	vmul.f32 $3.333333430e-01, v13;
	v1 =	vadd.f32 v6, v1  }
0x5a: {  	s31 =	sadd.s32 $0x100, s31;
	p1 =	slt.u32 s14, $0x260;
	v6 =	vld [tilespmem:s30+$0xFFFFFF80];
	[tilespmem:s3+$0xFFFFFFF0] =	vst v11;
	v0 =	vmul.f32 $3.333333430e-01, v0;
	v2 =	vadd.f32 v7, v2  }
0x5b: {  	v7 =	vld [tilespmem:s31+$0x70];
	[tilespmem:s3+$0x0] =	vst v12;
	v1 =	vmul.f32 $3.333333430e-01, v1;
	v3 =	vadd.f32 v8, v3  }
0x5c: {  	v8 =	vld [tilespmem:s15+$0xFFFFFF90];
	[tilespmem:s3+$0x10] =	vst v10;
	v2 =	vmul.f32 $3.333333430e-01, v2;
	v4 =	vadd.f32 v9, v4  }
0x5d: {  	v9 =	vld [tilespmem:s30+$0xFFFFFF90];
	[tilespmem:s3+$0x20] =	vst v0;
	v0 =	vmul.f32 $3.333333430e-01, v3  }
0x5e: {  	v3 =	vld [tilespmem:s15+$0xFFFFFFA0];
	v5 =	vadd.f32 v5, v15;
	[tilespmem:s3+$0x30] =	vst v1;
	v1 =	vmul.f32 $3.333333430e-01, v4  }
0x5f: {  	v4 =	vld [tilespmem:s30+$0xFFFFFFA0];
	[tilespmem:s3+$0x40] =	vst v2  }
0x60: {  	v2 =	vld [tilespmem:s15+$0xFFFFFFB0];
	v5 =	vadd.f32 v7, v5;
	[tilespmem:s3+$0x50] =	vst v0  }
0x61: {  	v0 =	vld [tilespmem:s30+$0xFFFFFFB0];
	[tilespmem:s3+$0x60] =	vst v1  }
0x62: {  	v7 =	vadd.f32 v9, v8;
	v1 =	vld [tilespmem:s15+$0xFFFFFFC0];
	v5 =	vmul.f32 $3.333333430e-01, v5  }
0x63: {  	s3 =	sadd.s32 $0x100, s3;
	v8 =	vld [tilespmem:s30+$0xFFFFFFC0]  }
0x64: {  	v9 =	vadd.f32 v4, v3;
	v3 =	vld [tilespmem:s15+$0xFFFFFFD0];
	[tilespmem:s3+$0x70] =	vst v5  }
0x65: {  	v4 =	vld [tilespmem:s30+$0xFFFFFFD0]  }
0x66: {  	v5 =	vadd.f32 v0, v2;
	v0 =	vld [tilespmem:s15+$0xFFFFFFE0]  }
0x67: {  	v2 =	vld [tilespmem:s30+$0xFFFFFFE0]  }
0x68: {  	v8 =	vadd.f32 v8, v1;
	v1 =	vld [tilespmem:s15+$0xFFFFFFF0]  }
0x69: {  	v10 =	vld [tilespmem:s30+$0xFFFFFFF0]  }
0x6a: {  	v11 =	vadd.f32 v4, v3;
	v3 =	vld [tilespmem:s15+$0x0]  }
0x6b: {  	v4 =	vld [tilespmem:s30+$0x0]  }
0x6c: {  	v12 =	vadd.f32 v2, v0;
	v0 =	vld [tilespmem:s15+$0x10]  }
0x6d: {  	v2 =	vld [tilespmem:s30+$0x10]  }
0x6e: {  	v10 =	vadd.f32 v10, v1;
	v1 =	vld [tilespmem:s15+$0x20]  }
0x6f: {  	v13 =	vld [tilespmem:s30+$0x20]  }
0x70: {  	v14 =	vadd.f32 v4, v3;
	v3 =	vld [tilespmem:s15+$0x30]  }
0x71: {  	v4 =	vld [tilespmem:s30+$0x30]  }
0x72: {  	v15 =	vadd.f32 v2, v0;
	v2 =	vld [tilespmem:s15+$0x40]  }
0x73: {  	v16 =	vld [tilespmem:s30+$0x40]  }
0x74: {  	v0 =	vadd.f32 v13, v1;
	v13 =	vld [tilespmem:s15+$0x50]  }
0x75: {  	v17 =	vld [tilespmem:s30+$0x50]  }
0x76: {  	v1 =	vadd.f32 v4, v3;
	v4 =	vld [tilespmem:s15+$0x60]  }
0x77: {  	v18 =	vld [tilespmem:s30+$0x60]  }
0x78: {  	v19 =	vld [tilespmem:s15+$0xFFFFFF80];
	v2 =	vadd.f32 v16, v2  }
0x79: {  	v16 =	vld [tilespmem:s31+$0xFFFFFF80]  }
0x7a: {  	v20 =	vld [tilespmem:s31+$0xFFFFFF90];
	v3 =	vadd.f32 v17, v13  }
0x7b: {  	v13 =	vld [tilespmem:s31+$0xFFFFFFA0]  }
0x7c: {  	v17 =	vld [tilespmem:s31+$0xFFFFFFB0];
	v4 =	vadd.f32 v18, v4  }
0x7d: {  	v6 =	vadd.f32 v6, v19;
	v18 =	vld [tilespmem:s31+$0xFFFFFFC0]  }
0x7e: {  	v19 =	vld [tilespmem:s31+$0xFFFFFFD0]  }
0x7f: {  	v6 =	vadd.f32 v16, v6;
	v7 =	vadd.f32 v20, v7;
	v16 =	vld [tilespmem:s31+$0xFFFFFFE0]  }
0x80: {  	v9 =	vadd.f32 v13, v9;
	v13 =	vld [tilespmem:s31+$0xFFFFFFF0]  }
0x81: {  	v6 =	vmul.f32 $3.333333430e-01, v6;
	v7 =	vmul.f32 $3.333333430e-01, v7;
	v5 =	vadd.f32 v17, v5;
	v17 =	vld [tilespmem:s31+$0x0]  }
0x82: {  	v9 =	vmul.f32 $3.333333430e-01, v9;
	v8 =	vadd.f32 v18, v8;
	v18 =	vld [tilespmem:s31+$0x10]  }
.Ltmp0:
0x83: {  	[tilespmem:s3+$0xFFFFFF80] =	vst v6;
	v20 =	vmul.f32 $3.333333430e-01, v5;
	v11 =	vadd.f32 v19, v11;
	v5 =	vld [tilespmem:s31+$0x20];
	(pc) =	sbr.rel @p1 .LBB2_3-.Ltmp0, $4  }
0x84: {  	[tilespmem:s3+$0xFFFFFF90] =	vst v7;
	v19 =	vmul.f32 $3.333333430e-01, v8;
	v8 =	vadd.f32 v16, v12;
	v6 =	vld [tilespmem:s31+$0x30]  }
0x85: {  	[tilespmem:s3+$0xFFFFFFA0] =	vst v9;
	v12 =	vmul.f32 $3.333333430e-01, v11;
	v9 =	vadd.f32 v13, v10;
	v7 =	vld [tilespmem:s31+$0x40]  }
0x86: {  	[tilespmem:s3+$0xFFFFFFB0] =	vst v20;
	v10 =	vmul.f32 $3.333333430e-01, v8;
	v14 =	vadd.f32 v17, v14;
	v8 =	vld [tilespmem:s31+$0x50]  }
0x87: {  	s15 =	sadd.s32 $0x100, s15;
	[tilespmem:s3+$0xFFFFFFC0] =	vst v19;
	v11 =	vmul.f32 $3.333333430e-01, v9;
	v13 =	vadd.f32 v18, v15;
	v9 =	vld [tilespmem:s31+$0x60]  }
0x88: {  	[tilespmem:s3+$0xFFFFFFD0] =	vst v12  }
0x89: {  	v12 =	vmul.f32 $3.333333430e-01, v14;
	v0 =	vadd.f32 v5, v0;
	[tilespmem:s3+$0xFFFFFFE0] =	vst v10  }
0x8a: {  	v5 =	vmul.f32 $3.333333430e-01, v13;
	v1 =	vadd.f32 v6, v1;
	[tilespmem:s3+$0xFFFFFFF0] =	vst v11  }
0x8b: {  	v0 =	vmul.f32 $3.333333430e-01, v0;
	v2 =	vadd.f32 v7, v2;
	[tilespmem:s3+$0x0] =	vst v12  }
0x8c: {  	v1 =	vmul.f32 $3.333333430e-01, v1;
	v3 =	vadd.f32 v8, v3;
	[tilespmem:s3+$0x10] =	vst v5  }
0x8d: {  	v2 =	vmul.f32 $3.333333430e-01, v2;
	v4 =	vadd.f32 v9, v4;
	[tilespmem:s3+$0x20] =	vst v0  }
0x8e: {  	v0 =	vmul.f32 $3.333333430e-01, v3;
	[tilespmem:s3+$0x30] =	vst v1  }
0x8f: {  	v1 =	vmul.f32 $3.333333430e-01, v4;
	[tilespmem:s3+$0x40] =	vst v2  }
0x90: {  	[tilespmem:s3+$0x50] =	vst v0  }
0x91: {  	[tilespmem:s3+$0x60] =	vst v1  }
0x92: {  	v0 =	vld [tilespmem:$0x2700]  }
0x93: {  	v1 =	vld [tilespmem:$0x7600];
	_ =	sdelay $0x1  }
0x94: {  	v2 =	vld [tilespmem:$0xC500];
	_ =	sdelay $0x2  }
0x95: {  	v0 =	vadd.f32 v1, v0;
	_ =	sdelay $0x1  }
0x96: {  	v0 =	vadd.f32 v2, v0;
	_ =	sdelay $0x1  }
0x97: {  	v0 =	vmul.f32 $3.333333430e-01, v0  }
0x98: {  	s0 =	sshrl.u32 s0, $0x3  }
0x99: {  	p1 =	seq.s32 s26, $0x5;
	s0 =	sadd.s32 s7, s0;
	[tilespmem:$0x11400] =	vst v0  }
0x9a: {  	[hbm4b:s0+s5] =	stream.linear.scatter [tilespmem:s20], [sflag:$0x3], $0x2710, $0x38;
	[tilespmem:$0x13C00] =	vst v63  }
0x9b: {  	s0 =	sadd.s32 @!p1 s29, s12  }
0x9c: {  	s0 =	sshrl.u32 @!p1 s0, $0x3  }
0x9d: {  	s14 =	simm.s32 @!p1 $0x0;
	s3 =	sadd.s32 @!p1 s1, s0  }
0x9e: {  	[tilespmem:s14], [sflag:$0x1] =	stream.linear.gather @!p1 [hbm4b:s3+s14], $0x2710, $0x38;
	[tilespmem:$0x13C00] =	vst v63  }
0x9f: {  	s15 =	simm.s32 @!p1 $0x4F00;
	s3 =	sadd.s32 @!p1 s2, s0  }
0xa0: {  	[tilespmem:s15], [sflag:$0x1] =	stream.linear.gather @!p1 [hbm4b:s3+s14], $0x2710, $0x38;
	[tilespmem:$0x13C00] =	vst v63  }
0xa1: {  	s0 =	sadd.s32 @!p1 s4, s0;
	s3 =	simm.s32 @!p1 $0x9E00  }
0xa2: {  	[tilespmem:s3], [sflag:$0x1] =	stream.linear.gather @!p1 [hbm4b:s0+s14], $0x2710, $0x38;
	[tilespmem:$0x13C00] =	vst v63  }
0xa3: {  	_ =	swait.ge [sflag:s21], $0x2710  }
0xa4: {  	[sflag:s21] =	ssyncset.done $0x0  }
0xa5: {  	[sflag:s21] =	ssyncadd.s32 $0xFFFFD8F0  }
0xa6: {  	_ =	swait.ge [sflag:s21], $0x2710  }
0xa7: {  	[sflag:s21] =	ssyncset.done $0x0  }
0xa8: {  	[sflag:s21] =	ssyncadd.s32 $0xFFFFD8F0  }
0xa9: {  	_ =	swait.ge [sflag:s21], $0x2710  }
0xaa: {  	[sflag:s21] =	ssyncset.done $0x0  }
0xab: {  	s0 =	simm.s32 @!p0 $0x4;
	[sflag:s21] =	ssyncadd.s32 $0xFFFFD8F0  }
0xac: {  	_ =	swait.ge @!p0 [sflag:s0], $0x2710  }
0xad: {  	[sflag:s0] =	ssyncset.done @!p0 $0x0  }
0xae: {  	s31 =	simm.s32 $0x2800;
	[sflag:s0] =	ssyncadd.s32 @!p0 $0xFFFFD8F0  }
0xaf: {  	s29 =	simm.s32 $0x7700;
	v0 =	vld [tilespmem:s31+$0x70]  }
0xb0: {  	v1 =	vld [tilespmem:s29+$0x70]  }
0xb1: {  	s30 =	simm.s32 $0xC600;
	v2 =	vld [tilespmem:s29+$0xFFFFFF80]  }
0xb2: {  	v3 =	vld [tilespmem:s30+$0x70]  }
0xb3: {  	v4 =	vld [tilespmem:s31+$0xFFFFFF90]  }
0xb4: {  	v5 =	vld [tilespmem:s29+$0xFFFFFF90]  }
0xb5: {  	v6 =	vld [tilespmem:s31+$0xFFFFFFA0]  }
0xb6: {  	v7 =	vld [tilespmem:s29+$0xFFFFFFA0]  }
0xb7: {  	v8 =	vld [tilespmem:s31+$0xFFFFFFB0]  }
0xb8: {  	v9 =	vld [tilespmem:s29+$0xFFFFFFB0]  }
0xb9: {  	v10 =	vld [tilespmem:s31+$0xFFFFFFC0]  }
0xba: {  	v11 =	vld [tilespmem:s29+$0xFFFFFFC0]  }
0xbb: {  	v12 =	vld [tilespmem:s31+$0xFFFFFFD0]  }
0xbc: {  	v13 =	vld [tilespmem:s29+$0xFFFFFFD0]  }
0xbd: {  	v14 =	vld [tilespmem:s31+$0xFFFFFFE0]  }
0xbe: {  	v15 =	vld [tilespmem:s29+$0xFFFFFFE0]  }
0xbf: {  	v16 =	vld [tilespmem:s31+$0xFFFFFFF0]  }
0xc0: {  	v17 =	vld [tilespmem:s29+$0xFFFFFFF0]  }
0xc1: {  	v18 =	vld [tilespmem:s31+$0x0]  }
0xc2: {  	v19 =	vld [tilespmem:s29+$0x0]  }
0xc3: {  	v20 =	vld [tilespmem:s31+$0x10]  }
0xc4: {  	v21 =	vld [tilespmem:s29+$0x10]  }
0xc5: {  	v22 =	vld [tilespmem:s31+$0x20]  }
0xc6: {  	v23 =	vld [tilespmem:s29+$0x20]  }
0xc7: {  	v24 =	vld [tilespmem:s31+$0x30]  }
0xc8: {  	v25 =	vld [tilespmem:s29+$0x30]  }
0xc9: {  	v26 =	vld [tilespmem:s31+$0x40]  }
0xca: {  	v27 =	vld [tilespmem:s29+$0x40]  }
0xcb: {  	v28 =	vld [tilespmem:s31+$0x50]  }
0xcc: {  	v29 =	vld [tilespmem:s29+$0x50]  }
0xcd: {  	v30 =	vld [tilespmem:s31+$0x60]  }
0xce: {  	v32 =	vld [tilespmem:s30+$0xFFFFFF80]  }
0xcf: {  	v0 =	vadd.f32 v1, v0;
	v1 =	vld [tilespmem:s31+$0xFFFFFF80]  }
0xd0: {  	v4 =	vadd.f32 v5, v4;
	v5 =	vadd.f32 v7, v6;
	v6 =	vld [tilespmem:s30+$0xFFFFFFA0]  }
0xd1: {  	v7 =	vadd.f32 v9, v8;
	v9 =	vld [tilespmem:s30+$0xFFFFFFB0]  }
0xd2: {  	v0 =	vadd.f32 v3, v0;
	v3 =	vld [tilespmem:s30+$0xFFFFFF90]  }
0xd3: {  	v8 =	vadd.f32 v11, v10;
	v11 =	vld [tilespmem:s30+$0xFFFFFFC0]  }
0xd4: {  	v60 =	vld [tilespmem:s30+$0xFFFFFFE0];
	v10 =	vadd.f32 v13, v12;
	v12 =	vadd.f32 v15, v14  }
0xd5: {  	v13 =	vadd.f32 v17, v16;
	v14 =	vld [tilespmem:s30+$0xFFFFFFD0];
	v1 =	vadd.f32 v2, v1  }
0xd6: {  	v31 =	vld [tilespmem:s29+$0x60];
	v15 =	vadd.f32 v19, v18;
	v5 =	vadd.f32 v6, v5  }
0xd7: {  	v2 =	vmul.f32 $3.333333430e-01, v0;
	v1 =	vadd.f32 v32, v1;
	v3 =	vadd.f32 v3, v4;
	v4 =	vld [tilespmem:s30+$0xFFFFFFF0]  }
0xd8: {  	s3 =	simm.s32 $0x11500;
	v62 =	vld [tilespmem:s30+$0x0];
	v7 =	vadd.f32 v9, v7;
	v8 =	vadd.f32 v11, v8;
	v11 =	vmul.f32 $3.333333430e-01, v5  }
0xd9: {  	v61 =	vadd.f32 v21, v20;
	v16 =	vadd.f32 v60, v12;
	v9 =	vld [tilespmem:s30+$0x10];
	[tilespmem:s3+$0x70] =	vst v2;
	v6 =	vmul.f32 $3.333333430e-01, v1  }
0xda: {  	v0 =	vadd.f32 v23, v22;
	v10 =	vadd.f32 v14, v10;
	v5 =	vld [tilespmem:s30+$0x20];
	v14 =	vmul.f32 $3.333333430e-01, v7;
	[tilespmem:s3+$0xFFFFFFA0] =	vst v11  }
0xdb: {  	v2 =	vadd.f32 v27, v26;
	v63 =	vmul.f32 $3.333333430e-01, v8;
	v3 =	vmul.f32 $3.333333430e-01, v3;
	[tilespmem:s3+$0xFFFFFF80] =	vst v6;
	v6 =	vld [tilespmem:s30+$0x30]  }
0xdc: {  	v7 =	vld [tilespmem:s30+$0x40];
	v12 =	vmul.f32 $3.333333430e-01, v10;
	v1 =	vadd.f32 v25, v24;
	[tilespmem:s3+$0xFFFFFFB0] =	vst v14;
	v11 =	vadd.f32 v4, v13  }
0xdd: {  	v10 =	vmul.f32 $3.333333430e-01, v16;
	v8 =	vld [tilespmem:s30+$0x50];
	v14 =	vadd.f32 v62, v15;
	[tilespmem:s3+$0xFFFFFF90] =	vst v3;
	v3 =	vadd.f32 v29, v28  }
0xde: {  	s14 =	simm.s32 $0x2900;
	s0 =	simm.s32 $0x0;
	[tilespmem:s3+$0xFFFFFFC0] =	vst v63;
	v4 =	vadd.f32 v31, v30;
	v13 =	vadd.f32 v9, v61;
	v9 =	vld [tilespmem:s30+$0x60];
	v11 =	vmul.f32 $3.333333430e-01, v11  }
.LBB2_5:
0xdf: {  	v15 =	vld [tilespmem:s14+$0x70];
	[tilespmem:s3+$0xFFFFFFD0] =	vst v12;
	v12 =	vmul.f32 $3.333333430e-01, v14;
	v0 =	vadd.f32 v5, v0;
	s29 =	sadd.s32 $0x100, s29  }
0xe0: {  	s0 =	sadd.s32 $0x10, s0;
	v5 =	vld [tilespmem:s29+$0x70];
	[tilespmem:s3+$0xFFFFFFE0] =	vst v10;
	v10 =	vmul.f32 $3.333333430e-01, v13;
	v1 =	vadd.f32 v6, v1  }
0xe1: {  	s30 =	sadd.s32 $0x100, s30;
	p0 =	slt.u32 s0, $0x260;
	v6 =	vld [tilespmem:s29+$0xFFFFFF80];
	[tilespmem:s3+$0xFFFFFFF0] =	vst v11;
	v0 =	vmul.f32 $3.333333430e-01, v0;
	v2 =	vadd.f32 v7, v2  }
0xe2: {  	v7 =	vld [tilespmem:s30+$0x70];
	[tilespmem:s3+$0x0] =	vst v12;
	v1 =	vmul.f32 $3.333333430e-01, v1;
	v3 =	vadd.f32 v8, v3  }
0xe3: {  	v8 =	vld [tilespmem:s14+$0xFFFFFF90];
	[tilespmem:s3+$0x10] =	vst v10;
	v2 =	vmul.f32 $3.333333430e-01, v2;
	v4 =	vadd.f32 v9, v4  }
0xe4: {  	v9 =	vld [tilespmem:s29+$0xFFFFFF90];
	[tilespmem:s3+$0x20] =	vst v0;
	v0 =	vmul.f32 $3.333333430e-01, v3  }
0xe5: {  	v3 =	vld [tilespmem:s14+$0xFFFFFFA0];
	v5 =	vadd.f32 v5, v15;
	[tilespmem:s3+$0x30] =	vst v1;
	v1 =	vmul.f32 $3.333333430e-01, v4  }
0xe6: {  	v4 =	vld [tilespmem:s29+$0xFFFFFFA0];
	[tilespmem:s3+$0x40] =	vst v2  }
0xe7: {  	v2 =	vld [tilespmem:s14+$0xFFFFFFB0];
	v5 =	vadd.f32 v7, v5;
	[tilespmem:s3+$0x50] =	vst v0  }
0xe8: {  	v0 =	vld [tilespmem:s29+$0xFFFFFFB0];
	[tilespmem:s3+$0x60] =	vst v1  }
0xe9: {  	v7 =	vadd.f32 v9, v8;
	v1 =	vld [tilespmem:s14+$0xFFFFFFC0];
	v5 =	vmul.f32 $3.333333430e-01, v5  }
0xea: {  	s3 =	sadd.s32 $0x100, s3;
	v8 =	vld [tilespmem:s29+$0xFFFFFFC0]  }
0xeb: {  	v9 =	vadd.f32 v4, v3;
	v3 =	vld [tilespmem:s14+$0xFFFFFFD0];
	[tilespmem:s3+$0x70] =	vst v5  }
0xec: {  	v4 =	vld [tilespmem:s29+$0xFFFFFFD0]  }
0xed: {  	v5 =	vadd.f32 v0, v2;
	v0 =	vld [tilespmem:s14+$0xFFFFFFE0]  }
0xee: {  	v2 =	vld [tilespmem:s29+$0xFFFFFFE0]  }
0xef: {  	v8 =	vadd.f32 v8, v1;
	v1 =	vld [tilespmem:s14+$0xFFFFFFF0]  }
0xf0: {  	v10 =	vld [tilespmem:s29+$0xFFFFFFF0]  }
0xf1: {  	v11 =	vadd.f32 v4, v3;
	v3 =	vld [tilespmem:s14+$0x0]  }
0xf2: {  	v4 =	vld [tilespmem:s29+$0x0]  }
0xf3: {  	v12 =	vadd.f32 v2, v0;
	v0 =	vld [tilespmem:s14+$0x10]  }
0xf4: {  	v2 =	vld [tilespmem:s29+$0x10]  }
0xf5: {  	v10 =	vadd.f32 v10, v1;
	v1 =	vld [tilespmem:s14+$0x20]  }
0xf6: {  	v13 =	vld [tilespmem:s29+$0x20]  }
0xf7: {  	v14 =	vadd.f32 v4, v3;
	v3 =	vld [tilespmem:s14+$0x30]  }
0xf8: {  	v4 =	vld [tilespmem:s29+$0x30]  }
0xf9: {  	v15 =	vadd.f32 v2, v0;
	v2 =	vld [tilespmem:s14+$0x40]  }
0xfa: {  	v16 =	vld [tilespmem:s29+$0x40]  }
0xfb: {  	v0 =	vadd.f32 v13, v1;
	v13 =	vld [tilespmem:s14+$0x50]  }
0xfc: {  	v17 =	vld [tilespmem:s29+$0x50]  }
0xfd: {  	v1 =	vadd.f32 v4, v3;
	v4 =	vld [tilespmem:s14+$0x60]  }
0xfe: {  	v18 =	vld [tilespmem:s29+$0x60]  }
0xff: {  	v19 =	vld [tilespmem:s14+$0xFFFFFF80];
	v2 =	vadd.f32 v16, v2  }
0x100: {  	v16 =	vld [tilespmem:s30+$0xFFFFFF80]  }
0x101: {  	v20 =	vld [tilespmem:s30+$0xFFFFFF90];
	v3 =	vadd.f32 v17, v13  }
0x102: {  	v13 =	vld [tilespmem:s30+$0xFFFFFFA0]  }
0x103: {  	v17 =	vld [tilespmem:s30+$0xFFFFFFB0];
	v4 =	vadd.f32 v18, v4  }
0x104: {  	v6 =	vadd.f32 v6, v19;
	v18 =	vld [tilespmem:s30+$0xFFFFFFC0]  }
0x105: {  	v19 =	vld [tilespmem:s30+$0xFFFFFFD0]  }
0x106: {  	v6 =	vadd.f32 v16, v6;
	v7 =	vadd.f32 v20, v7;
	v16 =	vld [tilespmem:s30+$0xFFFFFFE0]  }
0x107: {  	v9 =	vadd.f32 v13, v9;
	v13 =	vld [tilespmem:s30+$0xFFFFFFF0]  }
0x108: {  	v6 =	vmul.f32 $3.333333430e-01, v6;
	v7 =	vmul.f32 $3.333333430e-01, v7;
	v5 =	vadd.f32 v17, v5;
	v17 =	vld [tilespmem:s30+$0x0]  }
0x109: {  	v9 =	vmul.f32 $3.333333430e-01, v9;
	v8 =	vadd.f32 v18, v8;
	v18 =	vld [tilespmem:s30+$0x10]  }
.Ltmp1:
0x10a: {  	[tilespmem:s3+$0xFFFFFF80] =	vst v6;
	v20 =	vmul.f32 $3.333333430e-01, v5;
	v11 =	vadd.f32 v19, v11;
	v5 =	vld [tilespmem:s30+$0x20];
	(pc) =	sbr.rel @p0 .LBB2_5-.Ltmp1, $4  }
0x10b: {  	[tilespmem:s3+$0xFFFFFF90] =	vst v7;
	v19 =	vmul.f32 $3.333333430e-01, v8;
	v8 =	vadd.f32 v16, v12;
	v6 =	vld [tilespmem:s30+$0x30]  }
0x10c: {  	[tilespmem:s3+$0xFFFFFFA0] =	vst v9;
	v12 =	vmul.f32 $3.333333430e-01, v11;
	v9 =	vadd.f32 v13, v10;
	v7 =	vld [tilespmem:s30+$0x40]  }
0x10d: {  	[tilespmem:s3+$0xFFFFFFB0] =	vst v20;
	v10 =	vmul.f32 $3.333333430e-01, v8;
	v14 =	vadd.f32 v17, v14;
	v8 =	vld [tilespmem:s30+$0x50]  }
0x10e: {  	s14 =	sadd.s32 $0x100, s14;
	[tilespmem:s3+$0xFFFFFFC0] =	vst v19;
	v11 =	vmul.f32 $3.333333430e-01, v9;
	v13 =	vadd.f32 v18, v15;
	v9 =	vld [tilespmem:s30+$0x60]  }
0x10f: {  	[tilespmem:s3+$0xFFFFFFD0] =	vst v12  }
0x110: {  	v60 =	vmul.f32 $3.333333430e-01, v14;
	v0 =	vadd.f32 v5, v0;
	[tilespmem:s3+$0xFFFFFFE0] =	vst v10  }
0x111: {  	v61 =	vmul.f32 $3.333333430e-01, v13;
	v1 =	vadd.f32 v6, v1;
	[tilespmem:s3+$0xFFFFFFF0] =	vst v11  }
0x112: {  	v0 =	vmul.f32 $3.333333430e-01, v0;
	v2 =	vadd.f32 v7, v2;
	[tilespmem:s3+$0x0] =	vst v60  }
0x113: {  	v1 =	vmul.f32 $3.333333430e-01, v1;
	v3 =	vadd.f32 v8, v3;
	[tilespmem:s3+$0x10] =	vst v61  }
0x114: {  	v2 =	vmul.f32 $3.333333430e-01, v2;
	v4 =	vadd.f32 v9, v4;
	[tilespmem:s3+$0x20] =	vst v0  }
0x115: {  	v62 =	vmul.f32 $3.333333430e-01, v3;
	[tilespmem:s3+$0x30] =	vst v1  }
0x116: {  	v63 =	vmul.f32 $3.333333430e-01, v4;
	[tilespmem:s3+$0x40] =	vst v2  }
0x117: {  	[tilespmem:s3+$0x50] =	vst v62  }
0x118: {  	[tilespmem:s3+$0x60] =	vst v63  }
0x119: {  	v0 =	vld [tilespmem:$0x4E80]  }
0x11a: {  	v1 =	vld [tilespmem:$0x9D80];
	_ =	sdelay $0x1  }
0x11b: {  	v2 =	vld [tilespmem:$0xEC80];
	_ =	sdelay $0x2  }
0x11c: {  	v0 =	vadd.f32 v1, v0  }
0x11d: {  	s26 =	sadd.s32 $0x1, s26  }
0x11e: {  	p0 =	sne.s32 s26, $0x6;
	v0 =	vadd.f32 v2, v0  }
.Ltmp2:
0x11f: {  	_ = 	snop;
	(pc) =	sbr.rel @p0 .LBB2_2-.Ltmp2, $3  }
0x120: {  	v0 =	vmul.f32 $3.333333430e-01, v0;
	_ =	sdelay $0x1  }
0x121: {  	s0 =	sadd.s32 s7, s28;
	[tilespmem:$0x13B80] =	vst v0  }
0x122: {  	[hbm4b:s0+s5] =	stream.linear.scatter [tilespmem:s22], [sflag:$0x4], $0x2710, $0x38;
	[tilespmem:$0x13C00] =	vst v63  }
0x123: {  	s25 =	sadd.s32 $0x1, s25  }
0x124: {  	_ =	swait.ge [sflag:s23], $0x2710;
	p0 =	sne.s32 s25, s13  }
.Ltmp3:
0x125: {  	[sflag:s23] =	ssyncset.done $0x0;
	(pc) =	sbr.rel @p0 .LBB2_1-.Ltmp3, $4  }
0x126: {  	[sflag:s23] =	ssyncadd.s32 $0xFFFFD8F0  }
0x127: {  	_ =	swait.ge [sflag:s24], $0x2710  }
0x128: {  	[sflag:s24] =	ssyncset.done $0x0  }
0x129: {  	[sflag:s24] =	ssyncadd.s32 $0xFFFFD8F0  }
0x12a: {  	_ =	sfence.sel $0x180000  }
0x12b: {  	[bflag:$0x0] =	sbarrier.arrive $0xFFFF  }
0x12c: {  	_ =	strace $0x90000047  }
0x12d: {  	s0 =	stileid.u32;
	[bflag:$0x2] =	sbarrier.arrive $0xFFFF  }
0x12e: {  	p0 =	sne.s32 s0, $0x0;
	s0 =	rddreg [dreg:$0x4]  }
0x12f: {  	s0 =	sadd.s32 @!p0 $0x100000, s0  }
0x130: {  	[sflag:s0] =	ssyncadd.tile.s32 @!p0 $0x1;
	_ =	shalt  }
.Lfunc_end2:
_tile_overlayer_lowered:
.L_overlay_start_2:
0x131: {  	(tag) =	ssettag $0x2  }
0x132: {  	s0 =	rddreg [dreg:$0x0];
	s2 =	stileid.u32  }
0x133: {  	s1 =	rddreg [dreg:$0x1];
	p0 =	sne.s32 s2, $0x0  }
0x134: {  	s3 =	rddreg [dreg:$0x2];
	[bflag:$0x3] =	sbarrier.arrive $0xFFFF;
	s2 =	simm.s32 @!p0 $0x1C05  }
0x135: {  	[timem:s3], [sflag:s2] =	dma.local @!p0 [hbm:s0], s1  }
0x136: {  	s0 =	simm.s32 @!p0 $0x5  }
0x137: {  	_ =	swait.ge @!p0 [sflag:s0], s1  }
0x138: {  	s1 =	ssub.s32 @!p0 $0x0, s1;
	[sflag:s0] =	ssyncset.done @!p0 $0x0  }
0x139: {  	[sflag:s0] =	ssyncadd.s32 @!p0 s1  }
0x13a: {  	[bflag:$0x3] =	sbarrier.arrive $0xFFFF  }
0x13b: {  	_ =	shalt  }

</sc_bundles>
